<compile_context>
chip_gen: v7x
topology: tpu7x:2x2x1
jax: 0.10.2.dev20260603
libtpu: 0.0.44.dev20260713+nightly
codegen_flags: <defaults>
</compile_context>

<pallas_src>
import functools

import jax
import jax.numpy as jnp
from jax import lax
from jax.experimental import pallas as pl
from jax.experimental.pallas import tpu as pltpu
from jax.experimental.pallas import tpu_sc as plsc

NC = 2
NS = 16
NW = NC * NS
B = 4096
T = 20
J = 7
D = 64
IDX_PER_B = T * J
B_PER_W = B // NW
CHUNK = 128
N_CHUNKS = B_PER_W * IDX_PER_B // CHUNK
SEGS_PER_W = 2 * B_PER_W
NBUF = 2


def _sc_pooled_lookup(table, idx_blocks, seg_blocks):
    mesh = plsc.VectorSubcoreMesh(core_axis_name="c", subcore_axis_name="s")

    @functools.partial(
        pl.kernel,
        out_type=jax.ShapeDtypeStruct((NW * SEGS_PER_W, D), jnp.float32),
        mesh=mesh,
        compiler_params=pltpu.CompilerParams(use_tc_tiling_on_sc=False),
        scratch_types=[
            pltpu.VMEM((N_CHUNKS * CHUNK,), jnp.int32),
            pltpu.VMEM((N_CHUNKS, CHUNK), jnp.int32),
            pltpu.VMEM_SHARED((NS * SEGS_PER_W, D), jnp.float32),
            pltpu.VMEM((CHUNK, D), jnp.float32),
            pltpu.VMEM((CHUNK, D), jnp.float32),
            pltpu.SemaphoreType.DMA,
            pltpu.SemaphoreType.DMA,
        ],
    )
    def k(table_hbm, idx_hbm, seg_hbm, out_hbm, idx_v, seg_v, acc, rows_a,
          rows_b, gsem_a, gsem_b):
        rows = [rows_a, rows_b]
        gsems = [gsem_a, gsem_b]
        cid = lax.axis_index("c")
        sid = lax.axis_index("s")
        wid = sid * NC + cid
        pltpu.sync_copy(idx_hbm.at[wid], idx_v)
        pltpu.sync_copy(seg_hbm.at[sid], seg_v)

        zeros = jnp.zeros((16,), jnp.float32)

        @pl.loop(0, CHUNK)
        def _(i):
            @pl.loop(0, D, step=16)
            def _(j):
                rows[0][i, pl.ds(j, 16)] = zeros

        @pl.loop(0, SEGS_PER_W, step=CHUNK)
        def _(i):
            pltpu.sync_copy(
                rows[0], acc.at[pl.ds(sid * SEGS_PER_W + i, CHUNK)]
            )

        @pl.loop(0, N_CHUNKS, step=2)
        def _(c0):
            gathers = [
                pltpu.async_copy(
                    table_hbm.at[idx_v.at[pl.ds((c0 + j) * CHUNK, CHUNK)]],
                    rows[j],
                    gsems[j],
                )
                for j in range(2)
            ]
            for g in gathers:
                g.wait()
            scatters = [
                pltpu.async_copy(
                    rows[j], acc.at[seg_v.at[c0 + j]], gsems[j], add=True
                )
                for j in range(2)
            ]
            for s in scatters:
                s.wait()

        pltpu.sync_copy(
            acc.at[pl.ds(sid * SEGS_PER_W, SEGS_PER_W)],
            out_hbm.at[pl.ds(wid * SEGS_PER_W, SEGS_PER_W)],
        )

    return k(table, idx_blocks, seg_blocks)


def kernel(input, table):
    idx = jnp.transpose(input.astype(jnp.int32), (0, 2, 1)).reshape(B, IDX_PER_B)
    idx_blocks = idx.reshape(NW, N_CHUNKS * CHUNK)

    q = jnp.arange(B_PER_W * IDX_PER_B, dtype=jnp.int32)
    seg = 2 * (q // IDX_PER_B) + (q % IDX_PER_B >= T).astype(jnp.int32)
    seg_blocks = (
        seg[None, :] + (jnp.arange(NS, dtype=jnp.int32) * SEGS_PER_W)[:, None]
    ).reshape(NS, N_CHUNKS, CHUNK)

    out = _sc_pooled_lookup(table, idx_blocks, seg_blocks)
    return out.reshape(B, 2 * D)

# --- scband reference (transcript-rebuilt; emitter-appended) ---
"""Pipeline reference for scband-word2-vec-55843164783453 (READ-ONLY COPY).

The authoritative reference and input builder live on the scoring server;
editing this copy changes nothing except your own understanding.
"""

import jax, jax.numpy as jnp
import numpy as np

VOCAB = 1000000
DIM = 64

def setup_inputs(seed: int = 0) -> dict:
    key = jax.random.key(seed)
    k1, k2 = jax.random.split(key)
    indices = jax.random.randint(k1, (4096, 20, 7), 0, VOCAB, dtype=jnp.int64)
    table = jax.random.normal(k2, (VOCAB + 1, DIM), dtype=jnp.float32) * 0.05
    return {"input": indices, "table": table}

def reference(input, table):
    # embedding lookup: [B, T, 7] -> [B, T, 7, D]
    embeddings = jnp.take(table, input, axis=0)
    # reduce over T axis -> [B, 7, D]
    embeddings = jnp.sum(embeddings, axis=1)
    embeddings = jnp.squeeze(embeddings)
    # split along axis 1 into [1, 6]
    opcodes = embeddings[:, :1, :]
    oprands = embeddings[:, 1:, :]
    opcodes = jnp.squeeze(opcodes, axis=1)  # [B, D]
    oprands = jnp.sum(oprands, axis=1)      # [B, D]
    insns = jnp.concatenate([opcodes, oprands], axis=1)  # [B, 2D]
    return insns

if __name__ == "__main__":
    import jax
    _d = setup_inputs()
    print(jax.jit(kernel)(*tuple(_d.values())))

</pallas_src>

<mosaic_0001>
#map = affine_map<(d0, d1) -> (0, 0)>
#map1 = affine_map<(d0, d1) -> (0, 0, 0)>
module attributes {stable_mosaic.version = 14 : i64} {
  func.func @k(%arg0: i32, %arg1: i32, %arg2: memref<1000001x64xf32, #tpu.memory_space<hbm>>, %arg3: memref<32x17920xi32, #tpu.memory_space<hbm>>, %arg4: memref<16x140x128xi32, #tpu.memory_space<hbm>>, %arg5: memref<8192x64xf32, #tpu.memory_space<hbm>>, %arg6: memref<17920xi32, #tpu.memory_space<vmem>>, %arg7: memref<140x128xi32, #tpu.memory_space<vmem>>, %arg8: memref<4096x64xf32, #tpu.memory_space<vmem_shared>>, %arg9: memref<128x64xf32, #tpu.memory_space<vmem>>, %arg10: memref<128x64xf32, #tpu.memory_space<vmem>>, %arg11: memref<!tpu.dma_semaphore, #tpu.memory_space<semaphore_mem>>, %arg12: memref<!tpu.dma_semaphore, #tpu.memory_space<semaphore_mem>>) attributes {dimension_semantics = [#tpu.dimension_semantics<core_parallel>, #tpu.dimension_semantics<subcore_parallel>], iteration_bounds = array<i64: 2, 16>, scalar_prefetch = 0 : i64, scratch_operands = 7 : i64, tpu.core_type = #tpu.core_type<sc_vector_subcore>, window_params = [{transform_indices = #map}, {transform_indices = #map}, {transform_indices = #map1}, {transform_indices = #map}]} {
    %mul3A = arith.constant 2 : i32
    %mul3A_0 = arith.muli %arg1, %mul3A : i32
    %add3A = arith.addi %mul3A_0, %arg0 : i32
    "tpu.region"() ({
      %run_scoped3A = tpu.sem_alloc : memref<!tpu.dma_semaphore, #tpu.memory_space<semaphore_mem>>
      %dma_start3A = arith.constant 0 : i32
      %dma_start3A_20 = tpu.memref_slice %arg3[%add3A, %dma_start3A] : memref<32x17920xi32, #tpu.memory_space<hbm>> -> memref<1x17920xi32, #tpu.memory_space<hbm>>
      %dma_start3A_21 = tpu.memref_squeeze %dma_start3A_20 : memref<1x17920xi32, #tpu.memory_space<hbm>> -> memref<17920xi32, #tpu.memory_space<hbm>>
      %dma_start3A_22 = arith.constant 0 : i32
      %dma_start3A_23 = tpu.memref_slice %arg3[%add3A, %dma_start3A_22] : memref<32x17920xi32, #tpu.memory_space<hbm>> -> memref<1x17920xi32, #tpu.memory_space<hbm>>
      %dma_start3A_24 = tpu.memref_squeeze %dma_start3A_23 : memref<1x17920xi32, #tpu.memory_space<hbm>> -> memref<17920xi32, #tpu.memory_space<hbm>>
      tpu.enqueue_dma source(%dma_start3A_24 : memref<17920xi32, #tpu.memory_space<hbm>>) target(%arg6 : memref<17920xi32, #tpu.memory_space<vmem>>) target_semaphore(%run_scoped3A : memref<!tpu.dma_semaphore, #tpu.memory_space<semaphore_mem>>)
      %dma_wait3A = arith.constant 0 : i32
      %dma_wait3A_25 = tpu.memref_slice %arg3[%add3A, %dma_wait3A] : memref<32x17920xi32, #tpu.memory_space<hbm>> -> memref<1x17920xi32, #tpu.memory_space<hbm>>
      %dma_wait3A_26 = tpu.memref_squeeze %dma_wait3A_25 : memref<1x17920xi32, #tpu.memory_space<hbm>> -> memref<17920xi32, #tpu.memory_space<hbm>>
      %dma_wait3A_27 = arith.constant 0 : i32
      %dma_wait3A_28 = tpu.memref_slice %arg3[%add3A, %dma_wait3A_27] : memref<32x17920xi32, #tpu.memory_space<hbm>> -> memref<1x17920xi32, #tpu.memory_space<hbm>>
      %dma_wait3A_29 = tpu.memref_squeeze %dma_wait3A_28 : memref<1x17920xi32, #tpu.memory_space<hbm>> -> memref<17920xi32, #tpu.memory_space<hbm>>
      tpu.wait_dma2 semaphore(%run_scoped3A : memref<!tpu.dma_semaphore, #tpu.memory_space<semaphore_mem>>) src(%dma_wait3A_29 : memref<17920xi32, #tpu.memory_space<hbm>>) dst(%arg6 : memref<17920xi32, #tpu.memory_space<vmem>>)
      tpu.yield
    }) : () -> ()
    "tpu.region"() ({
      %run_scoped3A = tpu.sem_alloc : memref<!tpu.dma_semaphore, #tpu.memory_space<semaphore_mem>>
      %dma_start3A = arith.constant 0 : i32
      %dma_start3A_20 = arith.constant 0 : i32
      %dma_start3A_21 = tpu.memref_slice %arg4[%arg1, %dma_start3A, %dma_start3A_20] : memref<16x140x128xi32, #tpu.memory_space<hbm>> -> memref<1x140x128xi32, #tpu.memory_space<hbm>>
      %dma_start3A_22 = tpu.memref_squeeze %dma_start3A_21 : memref<1x140x128xi32, #tpu.memory_space<hbm>> -> memref<140x128xi32, #tpu.memory_space<hbm>>
      %dma_start3A_23 = arith.constant 0 : i32
      %dma_start3A_24 = arith.constant 0 : i32
      %dma_start3A_25 = tpu.memref_slice %arg4[%arg1, %dma_start3A_23, %dma_start3A_24] : memref<16x140x128xi32, #tpu.memory_space<hbm>> -> memref<1x140x128xi32, #tpu.memory_space<hbm>>
      %dma_start3A_26 = tpu.memref_squeeze %dma_start3A_25 : memref<1x140x128xi32, #tpu.memory_space<hbm>> -> memref<140x128xi32, #tpu.memory_space<hbm>>
      tpu.enqueue_dma source(%dma_start3A_26 : memref<140x128xi32, #tpu.memory_space<hbm>>) target(%arg7 : memref<140x128xi32, #tpu.memory_space<vmem>>) target_semaphore(%run_scoped3A : memref<!tpu.dma_semaphore, #tpu.memory_space<semaphore_mem>>)
      %dma_wait3A = arith.constant 0 : i32
      %dma_wait3A_27 = arith.constant 0 : i32
      %dma_wait3A_28 = tpu.memref_slice %arg4[%arg1, %dma_wait3A, %dma_wait3A_27] : memref<16x140x128xi32, #tpu.memory_space<hbm>> -> memref<1x140x128xi32, #tpu.memory_space<hbm>>
      %dma_wait3A_29 = tpu.memref_squeeze %dma_wait3A_28 : memref<1x140x128xi32, #tpu.memory_space<hbm>> -> memref<140x128xi32, #tpu.memory_space<hbm>>
      %dma_wait3A_30 = arith.constant 0 : i32
      %dma_wait3A_31 = arith.constant 0 : i32
      %dma_wait3A_32 = tpu.memref_slice %arg4[%arg1, %dma_wait3A_30, %dma_wait3A_31] : memref<16x140x128xi32, #tpu.memory_space<hbm>> -> memref<1x140x128xi32, #tpu.memory_space<hbm>>
      %dma_wait3A_33 = tpu.memref_squeeze %dma_wait3A_32 : memref<1x140x128xi32, #tpu.memory_space<hbm>> -> memref<140x128xi32, #tpu.memory_space<hbm>>
      tpu.wait_dma2 semaphore(%run_scoped3A : memref<!tpu.dma_semaphore, #tpu.memory_space<semaphore_mem>>) src(%dma_wait3A_33 : memref<140x128xi32, #tpu.memory_space<hbm>>) dst(%arg7 : memref<140x128xi32, #tpu.memory_space<vmem>>)
      tpu.yield
    }) : () -> ()
    %broadcast_in_dim3A = arith.constant 0.000000e+00 : f32
    %broadcast_in_dim3A_1 = vector.broadcast %broadcast_in_dim3A : f32 to vector<16xf32>
    %scan3A = arith.constant 0 : i32
    %scan3A_2 = arith.constant 128 : i32
    %scan3A_3 = arith.addi %scan3A, %scan3A_2 : i32
    %scan3A_4 = arith.constant 1 : i32
    scf.for %scan3A_20 = %scan3A to %scan3A_3 step %scan3A_4  : i32 {
      %mul3A_21 = arith.constant 1 : i32
      %mul3A_22 = arith.muli %scan3A_20, %mul3A_21 : i32
      %add3A_23 = arith.constant 0 : i32
      %add3A_24 = arith.addi %add3A_23, %mul3A_22 : i32
      %scan3A_25 = arith.constant 0 : i32
      %scan3A_26 = arith.constant 4 : i32
      %scan3A_27 = arith.addi %scan3A_25, %scan3A_26 : i32
      %scan3A_28 = arith.constant 1 : i32
      scf.for %scan3A_30 = %scan3A_25 to %scan3A_27 step %scan3A_28  : i32 {
        %mul3A_31 = arith.constant 16 : i32
        %mul3A_32 = arith.muli %scan3A_30, %mul3A_31 : i32
        %add3A_33 = arith.constant 0 : i32
        %add3A_34 = arith.addi %add3A_33, %mul3A_32 : i32
        %swap3A = arith.index_cast %add3A_24 : i32 to index
        %swap3A_35 = arith.index_cast %add3A_34 : i32 to index
        %swap3A_36 = tpu.vector_load %arg9[%swap3A, %swap3A_35] {strides = array<i32>} : memref<128x64xf32, #tpu.memory_space<vmem>>, vector<1x16xf32>,
        %swap3A_37 = vector.shape_cast %swap3A_36 : vector<1x16xf32> to vector<16xf32>
        %swap3A_38 = vector.shape_cast %broadcast_in_dim3A_1 : vector<16xf32> to vector<1x16xf32>
        tpu.vector_store %arg9[%swap3A, %swap3A_35], %swap3A_38 {strides = array<i32>} : memref<128x64xf32, #tpu.memory_space<vmem>>, vector<1x16xf32>,
      }
      %scan3A_29 = arith.constant 4 : i32
    }
    %scan3A_5 = arith.constant 128 : i32
    %scan3A_6 = arith.constant 0 : i32
    %scan3A_7 = arith.constant 2 : i32
    %scan3A_8 = arith.addi %scan3A_6, %scan3A_7 : i32
    %scan3A_9 = arith.constant 1 : i32
    scf.for %scan3A_20 = %scan3A_6 to %scan3A_8 step %scan3A_9  : i32 {
      %mul3A_21 = arith.constant 128 : i32
      %mul3A_22 = arith.muli %scan3A_20, %mul3A_21 : i32
      %add3A_23 = arith.constant 0 : i32
      %add3A_24 = arith.addi %add3A_23, %mul3A_22 : i32
      %mul3A_25 = arith.constant 256 : i32
      %mul3A_26 = arith.muli %arg1, %mul3A_25 : i32
      %add3A_27 = arith.addi %mul3A_26, %add3A_24 : i32
      "tpu.region"() ({
        %run_scoped3A = tpu.sem_alloc : memref<!tpu.dma_semaphore, #tpu.memory_space<semaphore_mem>>
        %dma_start3A = arith.constant 0 : i32
        %dma_start3A_28 = tpu.memref_slice %arg8[%add3A_27, %dma_start3A] : memref<4096x64xf32, #tpu.memory_space<vmem_shared>> -> memref<128x64xf32, #tpu.memory_space<vmem_shared>>
        %dma_start3A_29 = arith.constant 0 : i32
        %dma_start3A_30 = tpu.memref_slice %arg8[%add3A_27, %dma_start3A_29] : memref<4096x64xf32, #tpu.memory_space<vmem_shared>> -> memref<128x64xf32, #tpu.memory_space<vmem_shared>>
        tpu.enqueue_dma source(%arg9 : memref<128x64xf32, #tpu.memory_space<vmem>>) target(%dma_start3A_30 : memref<128x64xf32, #tpu.memory_space<vmem_shared>>) target_semaphore(%run_scoped3A : memref<!tpu.dma_semaphore, #tpu.memory_space<semaphore_mem>>)
        %dma_wait3A = arith.constant 0 : i32
        %dma_wait3A_31 = tpu.memref_slice %arg8[%add3A_27, %dma_wait3A] : memref<4096x64xf32, #tpu.memory_space<vmem_shared>> -> memref<128x64xf32, #tpu.memory_space<vmem_shared>>
        %dma_wait3A_32 = arith.constant 0 : i32
        %dma_wait3A_33 = tpu.memref_slice %arg8[%add3A_27, %dma_wait3A_32] : memref<4096x64xf32, #tpu.memory_space<vmem_shared>> -> memref<128x64xf32, #tpu.memory_space<vmem_shared>>
        tpu.wait_dma2 semaphore(%run_scoped3A : memref<!tpu.dma_semaphore, #tpu.memory_space<semaphore_mem>>) src(%arg9 : memref<128x64xf32, #tpu.memory_space<vmem>>) dst(%dma_wait3A_33 : memref<128x64xf32, #tpu.memory_space<vmem_shared>>)
        tpu.yield
      }) : () -> ()
    }
    %scan3A_10 = arith.constant 2 : i32
    %scan3A_11 = arith.constant 0 : i32
    %scan3A_12 = arith.constant 70 : i32
    %scan3A_13 = arith.addi %scan3A_11, %scan3A_12 : i32
    %scan3A_14 = arith.constant 1 : i32
    scf.for %scan3A_20 = %scan3A_11 to %scan3A_13 step %scan3A_14  : i32 {
      %mul3A_21 = arith.constant 2 : i32
      %mul3A_22 = arith.muli %scan3A_20, %mul3A_21 : i32
      %add3A_23 = arith.constant 0 : i32
      %add3A_24 = arith.addi %add3A_23, %mul3A_22 : i32
      %add3A_25 = arith.constant 0 : i32
      %add3A_26 = arith.addi %add3A_24, %add3A_25 : i32
      %mul3A_27 = arith.constant 128 : i32
      %mul3A_28 = arith.muli %add3A_26, %mul3A_27 : i32
      %dma_start3A = tpu.memref_slice %arg6[%mul3A_28] : memref<17920xi32, #tpu.memory_space<vmem>> -> memref<128xi32, #tpu.memory_space<vmem>>
      %dma_start3A_29 = arith.constant 0 : i32
      %dma_start3A_30 = arith.constant 0 : i32
      %dma_start3A_31 = tpu.memref_slice %arg2[%dma_start3A_29, %dma_start3A_30] : memref<1000001x64xf32, #tpu.memory_space<hbm>> -> memref<1000001x64xf32, #tpu.memory_space<hbm>>
      tpu.enqueue_indirect_dma source(%dma_start3A_31 : memref<1000001x64xf32, #tpu.memory_space<hbm>>) target(%arg9 : memref<128x64xf32, #tpu.memory_space<vmem>>) offsets(%dma_start3A : memref<128xi32, #tpu.memory_space<vmem>>) semaphore(%arg11 : memref<!tpu.dma_semaphore, #tpu.memory_space<semaphore_mem>>)
      %add3A_32 = arith.constant 1 : i32
      %add3A_33 = arith.addi %add3A_24, %add3A_32 : i32
      %mul3A_34 = arith.constant 128 : i32
      %mul3A_35 = arith.muli %add3A_33, %mul3A_34 : i32
      %dma_start3A_36 = tpu.memref_slice %arg6[%mul3A_35] : memref<17920xi32, #tpu.memory_space<vmem>> -> memref<128xi32, #tpu.memory_space<vmem>>
      %dma_start3A_37 = arith.constant 0 : i32
      %dma_start3A_38 = arith.constant 0 : i32
      %dma_start3A_39 = tpu.memref_slice %arg2[%dma_start3A_37, %dma_start3A_38] : memref<1000001x64xf32, #tpu.memory_space<hbm>> -> memref<1000001x64xf32, #tpu.memory_space<hbm>>
      tpu.enqueue_indirect_dma source(%dma_start3A_39 : memref<1000001x64xf32, #tpu.memory_space<hbm>>) target(%arg10 : memref<128x64xf32, #tpu.memory_space<vmem>>) offsets(%dma_start3A_36 : memref<128xi32, #tpu.memory_space<vmem>>) semaphore(%arg12 : memref<!tpu.dma_semaphore, #tpu.memory_space<semaphore_mem>>)
      %dma_wait3A = tpu.memref_slice %arg6[%mul3A_28] : memref<17920xi32, #tpu.memory_space<vmem>> -> memref<128xi32, #tpu.memory_space<vmem>>
      %dma_wait3A_40 = arith.constant 0 : i32
      %dma_wait3A_41 = arith.constant 0 : i32
      %dma_wait3A_42 = tpu.memref_slice %arg2[%dma_wait3A_40, %dma_wait3A_41] : memref<1000001x64xf32, #tpu.memory_space<hbm>> -> memref<1000001x64xf32, #tpu.memory_space<hbm>>
      tpu.wait_indirect_dma semaphore(%arg11 : memref<!tpu.dma_semaphore, #tpu.memory_space<semaphore_mem>>) src(%dma_wait3A_42 : memref<1000001x64xf32, #tpu.memory_space<hbm>>) dst(%arg9 : memref<128x64xf32, #tpu.memory_space<vmem>>)
      %dma_wait3A_43 = tpu.memref_slice %arg6[%mul3A_35] : memref<17920xi32, #tpu.memory_space<vmem>> -> memref<128xi32, #tpu.memory_space<vmem>>
      %dma_wait3A_44 = arith.constant 0 : i32
      %dma_wait3A_45 = arith.constant 0 : i32
      %dma_wait3A_46 = tpu.memref_slice %arg2[%dma_wait3A_44, %dma_wait3A_45] : memref<1000001x64xf32, #tpu.memory_space<hbm>> -> memref<1000001x64xf32, #tpu.memory_space<hbm>>
      tpu.wait_indirect_dma semaphore(%arg12 : memref<!tpu.dma_semaphore, #tpu.memory_space<semaphore_mem>>) src(%dma_wait3A_46 : memref<1000001x64xf32, #tpu.memory_space<hbm>>) dst(%arg10 : memref<128x64xf32, #tpu.memory_space<vmem>>)
      %add3A_47 = arith.constant 0 : i32
      %add3A_48 = arith.addi %add3A_24, %add3A_47 : i32
      %dma_start3A_49 = arith.constant 0 : i32
      %dma_start3A_50 = tpu.memref_slice %arg7[%add3A_48, %dma_start3A_49] : memref<140x128xi32, #tpu.memory_space<vmem>> -> memref<1x128xi32, #tpu.memory_space<vmem>>
      %dma_start3A_51 = tpu.memref_squeeze %dma_start3A_50 : memref<1x128xi32, #tpu.memory_space<vmem>> -> memref<128xi32, #tpu.memory_space<vmem>>
      %dma_start3A_52 = arith.constant 0 : i32
      %dma_start3A_53 = arith.constant 0 : i32
      %dma_start3A_54 = tpu.memref_slice %arg8[%dma_start3A_52, %dma_start3A_53] : memref<4096x64xf32, #tpu.memory_space<vmem_shared>> -> memref<4096x64xf32, #tpu.memory_space<vmem_shared>>
      tpu.enqueue_indirect_dma source(%arg9 : memref<128x64xf32, #tpu.memory_space<vmem>>) target(%dma_start3A_54 : memref<4096x64xf32, #tpu.memory_space<vmem_shared>>) offsets(%dma_start3A_51 : memref<128xi32, #tpu.memory_space<vmem>>) semaphore(%arg11 : memref<!tpu.dma_semaphore, #tpu.memory_space<semaphore_mem>>) {add = true}
      %add3A_55 = arith.constant 1 : i32
      %add3A_56 = arith.addi %add3A_24, %add3A_55 : i32
      %dma_start3A_57 = arith.constant 0 : i32
      %dma_start3A_58 = tpu.memref_slice %arg7[%add3A_56, %dma_start3A_57] : memref<140x128xi32, #tpu.memory_space<vmem>> -> memref<1x128xi32, #tpu.memory_space<vmem>>
      %dma_start3A_59 = tpu.memref_squeeze %dma_start3A_58 : memref<1x128xi32, #tpu.memory_space<vmem>> -> memref<128xi32, #tpu.memory_space<vmem>>
      %dma_start3A_60 = arith.constant 0 : i32
      %dma_start3A_61 = arith.constant 0 : i32
      %dma_start3A_62 = tpu.memref_slice %arg8[%dma_start3A_60, %dma_start3A_61] : memref<4096x64xf32, #tpu.memory_space<vmem_shared>> -> memref<4096x64xf32, #tpu.memory_space<vmem_shared>>
      tpu.enqueue_indirect_dma source(%arg10 : memref<128x64xf32, #tpu.memory_space<vmem>>) target(%dma_start3A_62 : memref<4096x64xf32, #tpu.memory_space<vmem_shared>>) offsets(%dma_start3A_59 : memref<128xi32, #tpu.memory_space<vmem>>) semaphore(%arg12 : memref<!tpu.dma_semaphore, #tpu.memory_space<semaphore_mem>>) {add = true}
      %dma_wait3A_63 = arith.constant 0 : i32
      %dma_wait3A_64 = tpu.memref_slice %arg7[%add3A_48, %dma_wait3A_63] : memref<140x128xi32, #tpu.memory_space<vmem>> -> memref<1x128xi32, #tpu.memory_space<vmem>>
      %dma_wait3A_65 = tpu.memref_squeeze %dma_wait3A_64 : memref<1x128xi32, #tpu.memory_space<vmem>> -> memref<128xi32, #tpu.memory_space<vmem>>
      %dma_wait3A_66 = arith.constant 0 : i32
      %dma_wait3A_67 = arith.constant 0 : i32
      %dma_wait3A_68 = tpu.memref_slice %arg8[%dma_wait3A_66, %dma_wait3A_67] : memref<4096x64xf32, #tpu.memory_space<vmem_shared>> -> memref<4096x64xf32, #tpu.memory_space<vmem_shared>>
      tpu.wait_indirect_dma semaphore(%arg11 : memref<!tpu.dma_semaphore, #tpu.memory_space<semaphore_mem>>) src(%arg9 : memref<128x64xf32, #tpu.memory_space<vmem>>) dst(%dma_wait3A_68 : memref<4096x64xf32, #tpu.memory_space<vmem_shared>>)
      %dma_wait3A_69 = arith.constant 0 : i32
      %dma_wait3A_70 = tpu.memref_slice %arg7[%add3A_56, %dma_wait3A_69] : memref<140x128xi32, #tpu.memory_space<vmem>> -> memref<1x128xi32, #tpu.memory_space<vmem>>
      %dma_wait3A_71 = tpu.memref_squeeze %dma_wait3A_70 : memref<1x128xi32, #tpu.memory_space<vmem>> -> memref<128xi32, #tpu.memory_space<vmem>>
      %dma_wait3A_72 = arith.constant 0 : i32
      %dma_wait3A_73 = arith.constant 0 : i32
      %dma_wait3A_74 = tpu.memref_slice %arg8[%dma_wait3A_72, %dma_wait3A_73] : memref<4096x64xf32, #tpu.memory_space<vmem_shared>> -> memref<4096x64xf32, #tpu.memory_space<vmem_shared>>
      tpu.wait_indirect_dma semaphore(%arg12 : memref<!tpu.dma_semaphore, #tpu.memory_space<semaphore_mem>>) src(%arg10 : memref<128x64xf32, #tpu.memory_space<vmem>>) dst(%dma_wait3A_74 : memref<4096x64xf32, #tpu.memory_space<vmem_shared>>)
    }
    %scan3A_15 = arith.constant 70 : i32
    %mul3A_16 = arith.constant 256 : i32
    %mul3A_17 = arith.muli %arg1, %mul3A_16 : i32
    %mul3A_18 = arith.constant 256 : i32
    %mul3A_19 = arith.muli %add3A, %mul3A_18 : i32
    "tpu.region"() ({
      %run_scoped3A = tpu.sem_alloc : memref<!tpu.dma_semaphore, #tpu.memory_space<semaphore_mem>>
      %dma_start3A = arith.constant 0 : i32
      %dma_start3A_20 = tpu.memref_slice %arg5[%mul3A_19, %dma_start3A] : memref<8192x64xf32, #tpu.memory_space<hbm>> -> memref<256x64xf32, #tpu.memory_space<hbm>>
      %dma_start3A_21 = arith.constant 0 : i32
      %dma_start3A_22 = tpu.memref_slice %arg8[%mul3A_17, %dma_start3A_21] : memref<4096x64xf32, #tpu.memory_space<vmem_shared>> -> memref<256x64xf32, #tpu.memory_space<vmem_shared>>
      tpu.enqueue_dma source(%dma_start3A_22 : memref<256x64xf32, #tpu.memory_space<vmem_shared>>) target(%dma_start3A_20 : memref<256x64xf32, #tpu.memory_space<hbm>>) target_semaphore(%run_scoped3A : memref<!tpu.dma_semaphore, #tpu.memory_space<semaphore_mem>>)
      %dma_wait3A = arith.constant 0 : i32
      %dma_wait3A_23 = tpu.memref_slice %arg5[%mul3A_19, %dma_wait3A] : memref<8192x64xf32, #tpu.memory_space<hbm>> -> memref<256x64xf32, #tpu.memory_space<hbm>>
      %dma_wait3A_24 = arith.constant 0 : i32
      %dma_wait3A_25 = tpu.memref_slice %arg8[%mul3A_17, %dma_wait3A_24] : memref<4096x64xf32, #tpu.memory_space<vmem_shared>> -> memref<256x64xf32, #tpu.memory_space<vmem_shared>>
      tpu.wait_dma2 semaphore(%run_scoped3A : memref<!tpu.dma_semaphore, #tpu.memory_space<semaphore_mem>>) src(%dma_wait3A_25 : memref<256x64xf32, #tpu.memory_space<vmem_shared>>) dst(%dma_wait3A_23 : memref<256x64xf32, #tpu.memory_space<hbm>>)
      tpu.yield
    }) : () -> ()
    return
  }
}

</mosaic_0001>

<sc_bundles>
// kernel: kernel.3.cloned.1.call-start
scs
__scs_entry_jumppad:
0x0: {  	(pc) =	sbr.rel $0x88, $3  }
0x1: {  	(tag) =	ssettag $0x0;
	lr =	simm.s32 $0x1  }
0x2: {  	[smem:$0x3F9F] =	sst lr;
	_ =	strace $0xD0000000  }
0x3: {  	_ = 	snop  }
0x4: {  	_ = 	snop  }
0x5: {  	_ = 	snop  }
0x6: {  	_ = 	snop  }
0x7: {  	_ = 	snop  }
__scs_overlays_trampoline_lowered:
0x8: {  	[smem:$0x3FAE] =	sst s0  }
0x9: {  	[smem:$0x3FAF] =	sst s1  }
0xa: {  	[smem:$0x3FB0] =	sst s2  }
0xb: {  	[smem:$0x3FB1] =	sst s3  }
0xc: {  	[smem:$0x3FB2] =	sst s4  }
0xd: {  	[smem:$0x3FB3] =	sst s5  }
0xe: {  	[smem:$0x3FB4] =	sst s6  }
0xf: {  	[smem:$0x3FB5] =	sst s7  }
0x10: {  	[smem:$0x3FB6] =	sst s8  }
0x11: {  	[smem:$0x3FB7] =	sst s9;
	s0 =	simm.s32 @!p0 $0x0  }
0x12: {  	s1 =	sld [smem:$0x3F9D];
	s0 =	simm.s32 @p0 $0x1  }
0x13: {  	[smem:$0x3FB8] =	sst s0;
	s0 =	simm.s32 @!p1 $0x0  }
0x14: {  	s2 =	sld [smem:$0x3F9C];
	s0 =	simm.s32 @p1 $0x1  }
0x15: {  	[smem:$0x3FB9] =	sst s0;
	s0 =	simm.s32 @!p2 $0x0  }
0x16: {  	s3 =	sld [smem:$0x3FDB];
	s0 =	simm.s32 @p2 $0x1  }
0x17: {  	s4 =	simm.s32 $0x1BF5;
	[smem:$0x3FBB] =	sst s0  }
0x18: {  	s0 =	sld [smem:$0x3F9E];
	_ =	swait.ge [sflag:s4], $0x0  }
0x19: {  	s7 =	sld [smem:$0x3F9F]  }
0x1a: {  	s8 =	sadd.s32 $0xFFFFE003, lr  }
0x1b: {  	s9 =	sadd.s32 $0xFFFFFEF7, lr;
	s5 =	simm.s32 $0xFFFFFFFF;
	p2 =	slt.u32 s8, $0xFFFFF086  }
0x1c: {  	p1 =	slt.u32 s9, $0xF7A;
	s5 =	simm.s32 @!p2 $0x0  }
0x1d: {  	s5 =	simm.s32 @p1 $0x1;
	p0 =	seq.s32 s7, s2  }
0x1e: {  	s7 =	smul.u32 @!p0 $0xF7A, s2;
	p2 =	seq.s32 @!p0 s5, $0x0  }
0x1f: {  	s9 =	smul.u32 $0xF7A, s1;
	s8 =	simm.s32 @!p0 $0x1BF5;
	p2 =	por !p2, p0  }
0x20: {  	[sflag:s8] =	ssyncset.s32 @!p0 $0xFFFFF086;
	s6 =	sadd.s32 @!p0 s3, s7;
	s7 =	simm.s32 @!p0 $0x108  }
0x21: {  	s3 =	sadd.s32 s3, s9;
	s6 =	sadd.s32 @!p0 $0x88, s6;
	s7 =	simm.s32 @p2 $0x1082  }
0x22: {  	[simem:s7], [sflag:s8] =	dma.local @!p0 [hbm:s6], $0xF7A  }
0x23: {  	s9 =	sor.u32 $0xD0000000, s2;
	s6 =	simm.s32 $0x108;
	_ =	swait.ge @!p0 [sflag:s8], $0x0  }
0x24: {  	s3 =	sadd.s32 $0x88, s3;
	s6 =	simm.s32 @!p1 $0x1082;
	[sflag:s4] =	ssyncset.s32 $0xFFFFF086  }
0x25: {  	[simem:s6], [sflag:s4] =	dma.local [hbm:s3], $0xF7A  }
0x26: {  	[smem:$0x3F9F] =	sst s1;
	(tag) =	ssettag s2;
	_ =	strace s9  }
0x27: {  	s1 =	sld [smem:$0x3FAF]  }
0x28: {  	s2 =	sld [smem:$0x3FB0]  }
0x29: {  	s4 =	sld [smem:$0x3FB2]  }
0x2a: {  	p0 =	seq.s32 s5, $0x0;
	s5 =	sld [smem:$0x3FB3]  }
0x2b: {  	s6 =	sld [smem:$0x3FB4]  }
0x2c: {  	s7 =	sld [smem:$0x3FB5]  }
0x2d: {  	s3 =	simm.s32 $0x108;
	s8 =	sld [smem:$0x3FB6]  }
0x2e: {  	s3 =	simm.s32 @!p0 $0x1082;
	s9 =	sld [smem:$0x3FB7]  }
0x2f: {  	lr =	sadd.s32 s0, s3;
	s0 =	sld [smem:$0x3FAE]  }
0x30: {  	s3 =	sld [smem:$0x3FB1]  }
0x31: {  	[smem:$0x3FBA] =	sst s10  }
0x32: {  	s10 =	sld [smem:$0x3FB8];
	_ =	sdelay $0x3  }
0x33: {  	p0 =	seq.s32 s10, $0x1;
	s10 =	sld [smem:$0x3FBA];
	_ =	sdelay $0x3  }
0x34: {  	[smem:$0x3FBA] =	sst s10  }
0x35: {  	s10 =	sld [smem:$0x3FB9];
	_ =	sdelay $0x3  }
0x36: {  	p1 =	seq.s32 s10, $0x1;
	s10 =	sld [smem:$0x3FBA];
	_ =	sdelay $0x3  }
0x37: {  	[smem:$0x3FBA] =	sst s10  }
0x38: {  	s10 =	sld [smem:$0x3FBB]  }
0x39: {  	_ = 	snop;
	(pc) =	sbr.ind lr, $3  }
0x3a: {  	_ = 	snop  }
0x3b: {  	_ = 	snop  }
0x3c: {  	p2 =	seq.s32 s10, $0x1;
	s10 =	sld [smem:$0x3FBA]  }
0x3d: {  	_ =	shalt  }
0x3e: {  	_ =	shalt  }
0x3f: {  	_ =	shalt  }
0x40: {  	_ =	shalt  }
0x41: {  	_ =	shalt  }
0x42: {  	_ =	shalt  }
0x43: {  	_ =	shalt  }
0x44: {  	_ =	shalt  }
0x45: {  	_ =	shalt  }
0x46: {  	_ =	shalt  }
0x47: {  	_ =	shalt  }
0x48: {  	_ =	shalt  }
0x49: {  	_ =	shalt  }
0x4a: {  	_ =	shalt  }
0x4b: {  	_ =	shalt  }
0x4c: {  	_ =	shalt  }
0x4d: {  	_ =	shalt  }
0x4e: {  	_ =	shalt  }
0x4f: {  	_ =	shalt  }
0x50: {  	_ =	shalt  }
0x51: {  	_ =	shalt  }
0x52: {  	_ =	shalt  }
0x53: {  	_ =	shalt  }
0x54: {  	_ =	shalt  }
0x55: {  	_ =	shalt  }
0x56: {  	_ =	shalt  }
0x57: {  	_ =	shalt  }
0x58: {  	_ =	shalt  }
0x59: {  	_ =	shalt  }
0x5a: {  	_ =	shalt  }
0x5b: {  	_ =	shalt  }
0x5c: {  	_ =	shalt  }
0x5d: {  	_ =	shalt  }
0x5e: {  	_ =	shalt  }
0x5f: {  	_ =	shalt  }
0x60: {  	_ =	shalt  }
0x61: {  	_ =	shalt  }
0x62: {  	_ =	shalt  }
0x63: {  	_ =	shalt  }
0x64: {  	_ =	shalt  }
0x65: {  	_ =	shalt  }
0x66: {  	_ =	shalt  }
0x67: {  	_ =	shalt  }
0x68: {  	_ =	shalt  }
0x69: {  	_ =	shalt  }
0x6a: {  	_ =	shalt  }
0x6b: {  	_ =	shalt  }
0x6c: {  	_ =	shalt  }
0x6d: {  	_ =	shalt  }
0x6e: {  	_ =	shalt  }
0x6f: {  	_ =	shalt  }
0x70: {  	_ =	shalt  }
0x71: {  	_ =	shalt  }
0x72: {  	_ =	shalt  }
0x73: {  	_ =	shalt  }
0x74: {  	_ =	shalt  }
0x75: {  	_ =	shalt  }
0x76: {  	_ =	shalt  }
0x77: {  	_ =	shalt  }
0x78: {  	_ =	shalt  }
0x79: {  	_ =	shalt  }
0x7a: {  	_ =	shalt  }
0x7b: {  	_ =	shalt  }
0x7c: {  	_ =	shalt  }
0x7d: {  	_ =	shalt  }
0x7e: {  	_ =	shalt  }
0x7f: {  	_ =	shalt  }
0x80: {  	_ =	shalt  }
0x81: {  	_ =	shalt  }
0x82: {  	_ =	shalt  }
0x83: {  	_ =	shalt  }
0x84: {  	_ =	shalt  }
0x85: {  	_ =	shalt  }
0x86: {  	_ =	shalt  }
0x87: {  	_ =	shalt  }
.Lfunc_end0:
.L_simem_size_0:
called_computation_lowered:
.L_overlay_start_0:
0x88: {  	s2 =	sld [smem:$0x3FD9]  }
0x89: {  	s3 =	sld [smem:$0x3FFE];
	_ =	sdelay $0x1  }
0x8a: {  	s1 =	srdreg.scid  }
0x8b: {  	s0 =	sand.u32 $0x1, s1  }
0x8c: {  	s17 =	sshll.u32 s0, $0xA;
	s2 =	sadd.s32 s3, s2  }
0x8d: {  	s2 =	sadd.s32 s2, s17  }
0x8e: {  	[smem:$0x3FC6] =	sst s2  }
0x8f: {  	_ = 	snop  }
0x90: {  	s2 =	sld [smem:$0x3FD0];
	(tm) =	ssettm $0x1  }
0x91: {  	s18 =	sld [smem:$0x3FFB];
	_ =	sdelay $0x3  }
0x92: {  	_ =	strace s18  }
0x93: {  	s3 =	sld [smem:$0x3FFC];
	_ =	sdelay $0x3  }
0x94: {  	_ =	strace s3  }
0x95: {  	s3 =	sld [smem:$0x3FFD];
	_ =	sdelay $0x3  }
0x96: {  	_ =	strace s3  }
0x97: {  	_ =	strace $0x8FFFFFFF  }
0x98: {  	s19 =	sld [smem:$0x3FDB];
	_ =	sdelay $0x1  }
0x99: {  	s4 =	simm.s32 $_scs_section_size  }
0x9a: {  	s5 =	simm.s32 $_size__tile_overlayer_lowered;
	s6 =	simm.s32 $_tile_overlayer_lowered  }
0x9b: {  	s22 =	simm.s32 $0x1BFF;
	s21 =	sshll.u32 s6, $0x1;
	s3 =	sadd.s32 s4, s19  }
0x9c: {  	s7 =	simm.s32 $0x0;
	s20 =	sshll.u32 s5, $0x1;
	s5 =	sadd.s32 s21, s3  }
0x9d: {  	[timem:s7], [sflag:s22] =	dma.local [hbm:s5], s20  }
0x9e: {  	_ =	swait.ge [sflag:s22], s20  }
0x9f: {  	s4 =	ssub.s32 $0x0, s20;
	[sflag:s22] =	ssyncset.done $0x0  }
0xa0: {  	[sflag:s22] =	ssyncadd.s32 s4;
	_ =	sdelay $0x1  }
0xa1: {  	s23 =	simm.s32 $0x1B8B  }
0xa2: {  	_ =	swait.ge [sflag:s23], $0x1  }
0xa3: {  	[sflag:s23] =	ssyncset.done $0x0  }
0xa4: {  	s25 =	simm.s32 $0x1B8E;
	s24 =	sld [smem:$0x3FFE];
	[sflag:s23] =	ssyncadd.s32 $0xFFFFFFFF  }
0xa5: {  	s26 =	simm.s32 $execute0_lowered;
	[smem:$0x3FD2] =	sst s25  }
0xa6: {  	s5 =	sshll.u32 s26, $0x1;
	_ =	strace $0x80000046;
	[dreg:$0x1] =	wrdreg $0xFFFFFFFF  }
0xa7: {  	s28 =	simm.s32 $_size_execute0_lowered;
	s3 =	sadd.s32 s3, s5;
	[dreg:$0x0] =	wrdreg $0x0  }
0xa8: {  	s5 =	sshll.u32 s28, $0x1;
	[dreg:$0x2] =	wrdreg s3  }
0xa9: {  	[dreg:$0x3] =	wrdreg s5  }
0xaa: {  	[dreg:$0x4] =	wrdreg $0xC0  }
0xab: {  	_ =	task [dreg:s7], $0x5FFFF  }
0xac: {  	[dreg:$0x1] =	wrdreg $0xFFFFFFFF  }
0xad: {  	[dreg:$0x0] =	wrdreg $0x60  }
0xae: {  	[dreg:$0x2] =	wrdreg s24  }
0xaf: {  	[dreg:$0x3] =	wrdreg s2  }
0xb0: {  	[dreg:$0x4] =	wrdreg $0x8C000  }
0xb1: {  	[dreg:$0x5] =	wrdreg $0x9  }
0xb2: {  	_ =	task.clear_ibuf [dreg:s7], $0x6FFFF;
	_ =	strace $0x90000046  }
0xb3: {  	s29 =	simm.s32 $0x9;
	_ =	strace $0x80000048  }
0xb4: {  	_ =	swait.ge [sflag:s29], $0x1  }
0xb5: {  	[sflag:s29] =	ssyncadd.s32 $0xFFFFFFFF  }
0xb6: {  	_ =	strace $0x90000048  }
0xb7: {  	_ =	sfence  }
0xb8: {  	s30 =	sld [smem:$0x0];
	_ =	sdelay $0x2  }
0xb9: {  	s31 =	sshll.u32 s1, $0xD;
	s1 =	sshrl.u32 s1, $0x2  }
0xba: {  	s3 =	sand.u32 $0x4000, s31;
	s1 =	sadd.s32 s1, s30  }
0xbb: {  	s0 =	sor.u32 s3, s0;
	s1 =	sshll.u32 s1, $0x11  }
0xbc: {  	s0 =	sor.u32 s1, s0  }
0xbd: {  	s0 =	sadd.s32 $0x8F2B, s0  }
0xbe: {  	[sflag:s0] =	ssyncadd.remote.s32 $0x1  }
0xbf: {  	_ =	sfence.sel $0xFFFF  }
0xc0: {  	[dreg:$0x0] =	wrdreg $0xFFFFFFFF;
	(pc) =	sbr.abs _section_cstart, $3  }
0xc1: {  	[dreg:$0x1] =	wrdreg $0xFFFFFFFF  }
0xc2: {  	_ =	task.clear_ibuf [dreg:s7], $0x2FFFF;
	_ =	strace $0x9FFFFFFF  }
0xc3: {  	(tm) =	ssettm $0x7FFFFFFF  }
tec
execute0_lowered:
.L_overlay_start_1:
0x0: {  	(tag) =	ssettag $0x1  }
0x1: {  	s5 =	rddreg [dreg:$0x0]  }
0x2: {  	s8 =	rddreg [dreg:$0x1];
	s1 =	srdreg.scid  }
0x3: {  	s0 =	stileid.u32;
	s2 =	rddreg [dreg:$0x2];
	s3 =	simm.s32 $0x0  }
0x4: {  	s12 =	simm.s32 $0x4600;
	s13 =	simm.s32 $0xCC00;
	s14 =	simm.s32 $0x80  }
0x5: {  	s15 =	simm.s32 $0xEC00;
	s16 =	simm.s32 $0x1;
	s17 =	simm.s32 $0x2  }
0x6: {  	s20 =	simm.s32 $0x0;
	s4 =	sand.u32 $0x1, s1;
	s1 =	rddreg [dreg:$0x3]  }
0x7: {  	s6 =	sshll.u32 s0, $0x1;
	[smem:$0x7FF] =	sst s3;
	s9 =	smul.u32 $0x8C0, s0  }
0x8: {  	s30 =	sshll.u32 s0, $0xE;
	s18 =	sshll.u32 s0, $0x6;
	s7 =	sor.u32 s4, s6  }
0x9: {  	_ =	strace $0x80000047;
	s10 =	ssub.s32 $0x2, s4;
	s4 =	sadd.s32 $0xF43200, s5  }
0xa: {  	s18 =	sor.u32 $0x1C03, s18;
	s6 =	smul.u32 $0x8C0, s7;
	s11 =	sshrl.u32 s10, $0x1  }
0xb: {  	s9 =	sadd.s32 s9, s5;
	s31 =	sshll.u32 s7, $0xB;
	s7 =	sadd.s32 s30, s2  }
0xc: {  	s10 =	ssub.s32 s10, s11;
	s8 =	sadd.s32 s8, s31;
	s6 =	sadd.s32 s6, s5  }
0xd: {  	s11 =	simm.s32 $0x3;
	s19 =	sshrl.u32 s7, $0x3;
	s5 =	sadd.s32 $0xC00, s6  }
0xe: {  	v0 =	vimm.f32 $0.0e+00;
	s6 =	sadd.s32 $0x12400, s9;
	s9 =	smax.u32 s10, $0x1;
	s10 =	sadd.s32 $0x2000, s7  }
.LBB2_1:
0xf: {  	[tilespmem:s3], [sflag:$0x3] =	stream.linear.gather [hbm4b:s5+s3], $0x4600, $0x38;
	[tilespmem:$0x10C00] =	vst v63  }
0x10: {  	_ =	swait.ge [sflag:s11], $0x4600  }
0x11: {  	[sflag:s11] =	ssyncset.done $0x0  }
0x12: {  	[sflag:s11] =	ssyncadd.s32 $0xFFFFBA00  }
0x13: {  	[tilespmem:s12], [sflag:$0x3] =	stream.linear.gather [hbm4b:s6+s3], $0x4600, $0x38;
	[tilespmem:$0x10C00] =	vst v63  }
0x14: {  	_ =	swait.ge [sflag:s11], $0x4600  }
0x15: {  	[sflag:s11] =	ssyncset.done $0x0  }
0x16: {  	s22 =	simm.s32 $0x100;
	s21 =	simm.s32 $0x0;
	[sflag:s11] =	ssyncadd.s32 $0xFFFFBA00  }
.LBB2_2:
0x17: {  	p0 =	sne.s32 s22, $0x7F00;
	[tilespmem:s21+$0xCC30] =	vst v0;
	s23 =	smov.u32 s22;
	s22 =	sadd.s32 $0x100, s22  }
.Ltmp0:
0x18: {  	[tilespmem:s21+$0xCC20] =	vst v0;
	(pc) =	sbr.rel @p0 .LBB2_2-.Ltmp0, $3  }
0x19: {  	[tilespmem:s21+$0xCC00] =	vst v0  }
0x1a: {  	[tilespmem:s21+$0xCC10] =	vst v0;
	_ =	sdelay $0x1  }
0x1b: {  	s21 =	sshra.s32 s23, $0x2  }
0x1c: {  	[tilespmem:s21+$0xCC30] =	vst v0  }
0x1d: {  	[tilespmem:s21+$0xCC20] =	vst v0  }
0x1e: {  	[tilespmem:s21+$0xCC00] =	vst v0  }
0x1f: {  	[tilespmem:s21+$0xCC10] =	vst v0  }
0x20: {  	[spmem:s7] =	stream.linear.scatter [tilespmem:s13], [sflag:$0x3], $0x2000, $0x38;
	[tilespmem:$0x10C00] =	vst v63  }
0x21: {  	_ =	swait.ge [sflag:s11], $0x2000  }
0x22: {  	[sflag:s11] =	ssyncset.done $0x0  }
0x23: {  	[sflag:s11] =	ssyncadd.s32 $0xFFFFE000  }
0x24: {  	[spmem:s10] =	stream.linear.scatter [tilespmem:s13], [sflag:$0x3], $0x2000, $0x38;
	[tilespmem:$0x10C00] =	vst v63  }
0x25: {  	_ =	swait.ge [sflag:s11], $0x2000  }
0x26: {  	[sflag:s11] =	ssyncset.done $0x0  }
0x27: {  	s28 =	simm.s32 $0x0;
	[sflag:s11] =	ssyncadd.s32 $0xFFFFE000  }
0x28: {  	[tilespmem:s13], [sflag:$0x1] =	stream.indirect.gather [hbm4b:s4+s14], $0x40, s28, s14, $0xb8;
	[tilespmem:$0x10C00] =	vst v63  }
0x29: {  	s29 =	simm.s32 $0x80  }
0x2a: {  	[tilespmem:s15], [sflag:$0x2] =	stream.indirect.gather [hbm4b:s4+s14], $0x40, s29, s14, $0xb8;
	[tilespmem:$0x10C00] =	vst v63  }
0x2b: {  	_ =	swait.ge [sflag:s16], $0x2000  }
0x2c: {  	[sflag:s16] =	ssyncset.done $0x0  }
0x2d: {  	[sflag:s16] =	ssyncadd.s32 $0xFFFFE000  }
0x2e: {  	_ =	swait.ge [sflag:s17], $0x2000  }
0x2f: {  	[sflag:s17] =	ssyncset.done $0x0  }
0x30: {  	s30 =	simm.s32 $0x4600;
	[sflag:s17] =	ssyncadd.s32 $0xFFFFE000  }
0x31: {  	[spmem:s2] =	stream.indirect.scatter.add.f32 [tilespmem:s13], [sflag:$0x1], $0x40, s30, s14, $0xb8;
	[tilespmem:$0x10C00] =	vst v63  }
0x32: {  	s31 =	simm.s32 $0x4680  }
0x33: {  	[spmem:s2] =	stream.indirect.scatter.add.f32 [tilespmem:s15], [sflag:$0x2], $0x40, s31, s14, $0xb8;
	[tilespmem:$0x10C00] =	vst v63  }
0x34: {  	_ =	swait.ge [sflag:s16], $0x2000  }
0x35: {  	[sflag:s16] =	ssyncset.done $0x0  }
0x36: {  	[sflag:s16] =	ssyncadd.s32 $0xFFFFE000  }
0x37: {  	_ =	swait.ge [sflag:s17], $0x2000  }
0x38: {  	s21 =	simm.s32 $0x400;
	s22 =	simm.s32 $0x800;
	[sflag:s17] =	ssyncset.done $0x0  }
.LBB2_4:
0x39: {  	s23 =	sshra.s32 s21, $0x2  }
0x3a: {  	[sflag:s17] =	ssyncadd.s32 $0xFFFFE000;
	s21 =	smov.u32 s22;
	s24 =	sadd.s32 $0x400, s22  }
0x3b: {  	[tilespmem:s13], [sflag:$0x1] =	stream.indirect.gather [hbm4b:s4+s14], $0x40, s23, s14, $0xb8;
	[tilespmem:$0x10C00] =	vst v63  }
0x3c: {  	p0 =	sne.s32 s22, $0x11400;
	s22 =	sadd.s32 $0x80, s23  }
0x3d: {  	[tilespmem:s15], [sflag:$0x2] =	stream.indirect.gather [hbm4b:s4+s14], $0x40, s22, s14, $0xb8;
	[tilespmem:$0x10C00] =	vst v63  }
0x3e: {  	_ =	swait.ge [sflag:s16], $0x2000  }
0x3f: {  	[sflag:s16] =	ssyncset.done $0x0  }
0x40: {  	[sflag:s16] =	ssyncadd.s32 $0xFFFFE000  }
0x41: {  	_ =	swait.ge [sflag:s17], $0x2000  }
0x42: {  	[sflag:s17] =	ssyncset.done $0x0  }
0x43: {  	s22 =	sadd.s32 $0x4600, s23;
	[sflag:s17] =	ssyncadd.s32 $0xFFFFE000  }
0x44: {  	[spmem:s2] =	stream.indirect.scatter.add.f32 [tilespmem:s13], [sflag:$0x1], $0x40, s22, s14, $0xb8;
	[tilespmem:$0x10C00] =	vst v63  }
0x45: {  	s22 =	sadd.s32 $0x4680, s23  }
0x46: {  	[spmem:s2] =	stream.indirect.scatter.add.f32 [tilespmem:s15], [sflag:$0x2], $0x40, s22, s14, $0xb8;
	[tilespmem:$0x10C00] =	vst v63  }
.Ltmp1:
0x47: {  	_ =	swait.ge [sflag:s16], $0x2000;
	(pc) =	sbr.rel @p0 .LBB2_4-.Ltmp1, $4  }
0x48: {  	[sflag:s16] =	ssyncset.done $0x0  }
0x49: {  	[sflag:s16] =	ssyncadd.s32 $0xFFFFE000  }
0x4a: {  	_ =	swait.ge [sflag:s17], $0x2000  }
0x4b: {  	s22 =	smov.u32 s24;
	[sflag:s17] =	ssyncset.done $0x0  }
0x4c: {  	s21 =	sshra.s32 s21, $0x2;
	[sflag:s17] =	ssyncadd.s32 $0xFFFFE000  }
0x4d: {  	[tilespmem:s13], [sflag:$0x1] =	stream.indirect.gather [hbm4b:s4+s14], $0x40, s21, s14, $0xb8;
	[tilespmem:$0x10C00] =	vst v63  }
0x4e: {  	s22 =	sadd.s32 $0x80, s21  }
0x4f: {  	[tilespmem:s15], [sflag:$0x2] =	stream.indirect.gather [hbm4b:s4+s14], $0x40, s22, s14, $0xb8;
	[tilespmem:$0x10C00] =	vst v63  }
0x50: {  	_ =	swait.ge [sflag:s16], $0x2000  }
0x51: {  	[sflag:s16] =	ssyncset.done $0x0  }
0x52: {  	[sflag:s16] =	ssyncadd.s32 $0xFFFFE000  }
0x53: {  	_ =	swait.ge [sflag:s17], $0x2000  }
0x54: {  	[sflag:s17] =	ssyncset.done $0x0  }
0x55: {  	s31 =	sadd.s32 $0x4600, s21;
	[sflag:s17] =	ssyncadd.s32 $0xFFFFE000  }
0x56: {  	[spmem:s2] =	stream.indirect.scatter.add.f32 [tilespmem:s13], [sflag:$0x1], $0x40, s31, s14, $0xb8;
	[tilespmem:$0x10C00] =	vst v63  }
0x57: {  	s21 =	sadd.s32 $0x4680, s21  }
0x58: {  	[spmem:s2] =	stream.indirect.scatter.add.f32 [tilespmem:s15], [sflag:$0x2], $0x40, s21, s14, $0xb8;
	[tilespmem:$0x10C00] =	vst v63  }
0x59: {  	_ =	swait.ge [sflag:s16], $0x2000  }
0x5a: {  	[sflag:s16] =	ssyncset.done $0x0  }
0x5b: {  	[sflag:s16] =	ssyncadd.s32 $0xFFFFE000  }
0x5c: {  	s20 =	sadd.s32 $0x1, s20;
	_ =	swait.ge [sflag:s17], $0x2000  }
0x5d: {  	p0 =	sne.s32 s20, s9;
	[sflag:s17] =	ssyncset.done $0x0  }
.Ltmp2:
0x5e: {  	[sflag:s17] =	ssyncadd.s32 $0xFFFFE000;
	(pc) =	sbr.rel @p0 .LBB2_1-.Ltmp2, $4  }
0x5f: {  	[hbm:s8], [sflag:s18] =	dma.local [spmem:s19], $0x800  }
0x60: {  	_ =	swait.ge [sflag:s11], $0x800  }
0x61: {  	[sflag:s11] =	ssyncset.done $0x0  }
0x62: {  	[sflag:s11] =	ssyncadd.s32 $0xFFFFF800  }
0x63: {  	_ =	sfence.sel $0x180000  }
0x64: {  	[bflag:$0x0] =	sbarrier.arrive $0xFFFF  }
0x65: {  	p0 =	sne.s32 s0, $0x0;
	_ =	strace $0x90000047  }
0x66: {  	s0 =	sadd.s32 @!p0 $0x100000, s1;
	[bflag:$0x2] =	sbarrier.arrive $0xFFFF  }
0x67: {  	[sflag:s0] =	ssyncadd.tile.s32 @!p0 $0x1;
	_ =	shalt  }
.Lfunc_end2:
_tile_overlayer_lowered:
.L_overlay_start_2:
0x68: {  	(tag) =	ssettag $0x2  }
0x69: {  	s0 =	rddreg [dreg:$0x0];
	s2 =	stileid.u32  }
0x6a: {  	s1 =	rddreg [dreg:$0x1];
	p0 =	sne.s32 s2, $0x0  }
0x6b: {  	s3 =	rddreg [dreg:$0x2];
	[bflag:$0x3] =	sbarrier.arrive $0xFFFF;
	s2 =	simm.s32 @!p0 $0x1C03  }
0x6c: {  	[timem:s3], [sflag:s2] =	dma.local @!p0 [hbm:s0], s1  }
0x6d: {  	s0 =	simm.s32 @!p0 $0x3  }
0x6e: {  	_ =	swait.ge @!p0 [sflag:s0], s1  }
0x6f: {  	s1 =	ssub.s32 @!p0 $0x0, s1;
	[sflag:s0] =	ssyncset.done @!p0 $0x0  }
0x70: {  	[sflag:s0] =	ssyncadd.s32 @!p0 s1  }
0x71: {  	[bflag:$0x3] =	sbarrier.arrive $0xFFFF  }
0x72: {  	_ =	shalt  }

</sc_bundles>
